<compile_context>
chip_gen: v7x
topology: tpu7x:2x2x1
jax: 0.10.2.dev20260603
libtpu: 0.0.44.dev20260713+nightly
codegen_flags: <defaults>
</compile_context>

<pallas_src>
import functools

import jax
import jax.numpy as jnp
from jax import lax
from jax.experimental import pallas as pl
from jax.experimental.pallas import tpu as pltpu
from jax.experimental.pallas import tpu_sc as plsc

B = 4096
S = 200
E = 64
H = 512
C = 128

NW = 32
NC = 2
BPW = B // NW
IPW = BPW * S
CH0 = 128
CH1 = S - CH0


def _pool_sc(x_flat, table):
    mesh = plsc.VectorSubcoreMesh(core_axis_name="c", subcore_axis_name="s")

    @functools.partial(
        pl.kernel,
        out_type=jax.ShapeDtypeStruct((B, E), jnp.float32),
        mesh=mesh,
        compiler_params=pltpu.CompilerParams(use_tc_tiling_on_sc=False),
        scratch_types=[
            pltpu.VMEM((IPW,), jnp.int32),
            pltpu.VMEM((2, S, E), jnp.float32),
            pltpu.VMEM((BPW, E), jnp.float32),
            pltpu.SemaphoreType.DMA,
            pltpu.SemaphoreType.DMA,
        ],
    )
    def k(x_hbm, table_hbm, out_hbm, idx_v, rows_v, acc_v, sem0, sem1):
        wid = lax.axis_index("s") * NC + lax.axis_index("c")
        pltpu.sync_copy(x_hbm.at[pl.ds(wid * IPW, IPW)], idx_v)
        sems = [sem0, sem1]

        def issue(i, b):
            base = i * S
            pltpu.make_async_copy(
                table_hbm.at[idx_v.at[pl.ds(base, CH0)]],
                rows_v.at[b, pl.ds(0, CH0)], sems[b]).start()
            pltpu.make_async_copy(
                table_hbm.at[idx_v.at[pl.ds(base + CH0, CH1)]],
                rows_v.at[b, pl.ds(CH0, CH1)], sems[b]).start()

        def wait_g(i, b):
            base = i * S
            pltpu.make_async_copy(
                table_hbm.at[idx_v.at[pl.ds(base, CH0)]],
                rows_v.at[b, pl.ds(0, CH0)], sems[b]).wait()
            pltpu.make_async_copy(
                table_hbm.at[idx_v.at[pl.ds(base + CH0, CH1)]],
                rows_v.at[b, pl.ds(CH0, CH1)], sems[b]).wait()

        def reduce_into(i, b):
            def body(r, carry):
                out = []
                for c in range(4):
                    v0 = rows_v[b, 2 * r, pl.ds(16 * c, 16)]
                    v1 = rows_v[b, 2 * r + 1, pl.ds(16 * c, 16)]
                    out.append(carry[c] + v0 + v1)
                return tuple(out)
            init = tuple(jnp.zeros((16,), jnp.float32) for _ in range(4))
            acc = lax.fori_loop(0, S // 2, body, init)
            for c in range(4):
                acc_v[i, pl.ds(16 * c, 16)] = acc[c]

        issue(0, 0)
        issue(1, 1)

        def outer(g, carry):
            for bb in range(2):
                i = 2 * g + bb
                wait_g(i, bb)

                @pl.when(i + 2 < BPW)
                def _():
                    issue(i + 2, bb)

                reduce_into(i, bb)
            return carry

        lax.fori_loop(0, BPW // 2, outer, 0)
        pltpu.sync_copy(acc_v, out_hbm.at[pl.ds(wid * BPW, BPW)])

    return k(x_flat, table)


def _mlp_tc(pooled, W1, b1, W2, b2):
    BLK = 512

    def body(p_ref, w1_ref, b1_ref, w2_ref, b2_ref, o_ref):
        p = p_ref[...] * (1.0 / S)
        h = jnp.dot(p, w1_ref[...], preferred_element_type=jnp.float32)
        h = jnp.maximum(h + b1_ref[...], 0.0)
        o_ref[...] = jnp.dot(h, w2_ref[...],
                             preferred_element_type=jnp.float32) + b2_ref[...]

    return pl.pallas_call(
        body,
        grid=(B // BLK,),
        in_specs=[
            pl.BlockSpec((BLK, E), lambda i: (i, 0)),
            pl.BlockSpec((E, H), lambda i: (0, 0)),
            pl.BlockSpec((1, H), lambda i: (0, 0)),
            pl.BlockSpec((H, C), lambda i: (0, 0)),
            pl.BlockSpec((1, C), lambda i: (0, 0)),
        ],
        out_specs=pl.BlockSpec((BLK, C), lambda i: (i, 0)),
        out_shape=jax.ShapeDtypeStruct((B, C), jnp.float32),
    )(pooled, W1, b1.reshape(1, H), W2, b2.reshape(1, C))


def kernel(x, table, W1, b1, W2, b2):
    x_flat = x.astype(jnp.int32).reshape(B * S)
    pooled = _pool_sc(x_flat, table)
    return _mlp_tc(pooled, W1, b1, W2, b2)

# --- scband reference (transcript-rebuilt; emitter-appended) ---
"""Pipeline reference for scband-text-classifier-17282948399154 (READ-ONLY COPY).

The authoritative reference and input builder live on the scoring server;
editing this copy changes nothing except your own understanding.
"""

import jax, jax.numpy as jnp
import numpy as np

VOCAB = 1000000
EMBED = 64
HIDDEN = 512
NUM_CLASSES = 128
BATCH = 4096
SEQ = 200

def setup_inputs(seed: int = 0) -> dict:
    key = jax.random.key(seed)
    k1, k2, k3, k4, k5, k6 = jax.random.split(key, 6)
    x = jax.random.randint(k1, (BATCH, SEQ), 0, VOCAB, dtype=jnp.int64) if jax.config.jax_enable_x64 else jax.random.randint(k1, (BATCH, SEQ), 0, VOCAB, dtype=jnp.int32)
    table = jax.random.normal(k2, (VOCAB, EMBED), dtype=jnp.float32) * 0.02
    W1 = jax.random.normal(k3, (EMBED, HIDDEN), dtype=jnp.float32) * (1.0 / np.sqrt(EMBED))
    b1 = jnp.zeros((HIDDEN,), dtype=jnp.float32)
    W2 = jax.random.normal(k4, (HIDDEN, NUM_CLASSES), dtype=jnp.float32) * (1.0 / np.sqrt(HIDDEN))
    b2 = jnp.zeros((NUM_CLASSES,), dtype=jnp.float32)
    return {"x": x, "table": table, "W1": W1, "b1": b1, "W2": W2, "b2": b2}

def reference(x, table, W1, b1, W2, b2):
    # embedding lookup (gather)
    h = jnp.take(table, x, axis=0)          # [B, S, E]
    h = jnp.mean(h, axis=1)                  # [B, E]
    h = jax.nn.relu(h @ W1 + b1)             # [B, H]
    out = h @ W2 + b2                        # [B, C]
    return out

if __name__ == "__main__":
    import jax
    _d = setup_inputs()
    print(jax.jit(kernel)(*tuple(_d.values())))

</pallas_src>

<mosaic_0001>
#map = affine_map<(d0, d1) -> (0)>
#map1 = affine_map<(d0, d1) -> (0, 0)>
module attributes {stable_mosaic.version = 14 : i64} {
  func.func @k(%arg0: i32, %arg1: i32, %arg2: memref<819200xi32, #tpu.memory_space<hbm>>, %arg3: memref<1000000x64xf32, #tpu.memory_space<hbm>>, %arg4: memref<4096x64xf32, #tpu.memory_space<hbm>>, %arg5: memref<25600xi32, #tpu.memory_space<vmem>>, %arg6: memref<2x200x64xf32, #tpu.memory_space<vmem>>, %arg7: memref<128x64xf32, #tpu.memory_space<vmem>>, %arg8: memref<!tpu.dma_semaphore, #tpu.memory_space<semaphore_mem>>, %arg9: memref<!tpu.dma_semaphore, #tpu.memory_space<semaphore_mem>>) attributes {dimension_semantics = [#tpu.dimension_semantics<core_parallel>, #tpu.dimension_semantics<subcore_parallel>], iteration_bounds = array<i64: 2, 16>, scalar_prefetch = 0 : i64, scratch_operands = 5 : i64, tpu.core_type = #tpu.core_type<sc_vector_subcore>, window_params = [{transform_indices = #map}, {transform_indices = #map1}, {transform_indices = #map1}]} {
    %mul3A = arith.constant 2 : i32
    %mul3A_0 = arith.muli %arg1, %mul3A : i32
    %add3A = arith.addi %mul3A_0, %arg0 : i32
    %mul3A_1 = arith.constant 25600 : i32
    %mul3A_2 = arith.muli %add3A, %mul3A_1 : i32
    "tpu.region"() ({
      %run_scoped3A = tpu.sem_alloc : memref<!tpu.dma_semaphore, #tpu.memory_space<semaphore_mem>>
      %dma_start3A_49 = tpu.memref_slice %arg2[%mul3A_2] : memref<819200xi32, #tpu.memory_space<hbm>> -> memref<25600xi32, #tpu.memory_space<hbm>>
      %dma_start3A_50 = tpu.memref_slice %arg2[%mul3A_2] : memref<819200xi32, #tpu.memory_space<hbm>> -> memref<25600xi32, #tpu.memory_space<hbm>>
      tpu.enqueue_dma source(%dma_start3A_50 : memref<25600xi32, #tpu.memory_space<hbm>>) target(%arg5 : memref<25600xi32, #tpu.memory_space<vmem>>) target_semaphore(%run_scoped3A : memref<!tpu.dma_semaphore, #tpu.memory_space<semaphore_mem>>)
      %dma_wait3A = tpu.memref_slice %arg2[%mul3A_2] : memref<819200xi32, #tpu.memory_space<hbm>> -> memref<25600xi32, #tpu.memory_space<hbm>>
      %dma_wait3A_51 = tpu.memref_slice %arg2[%mul3A_2] : memref<819200xi32, #tpu.memory_space<hbm>> -> memref<25600xi32, #tpu.memory_space<hbm>>
      tpu.wait_dma2 semaphore(%run_scoped3A : memref<!tpu.dma_semaphore, #tpu.memory_space<semaphore_mem>>) src(%dma_wait3A_51 : memref<25600xi32, #tpu.memory_space<hbm>>) dst(%arg5 : memref<25600xi32, #tpu.memory_space<vmem>>)
      tpu.yield
    }) : () -> ()
    %dma_start3A = arith.constant 0 : i32
    %dma_start3A_3 = arith.constant 0 : i32
    %dma_start3A_4 = arith.constant 0 : i32
    %dma_start3A_5 = tpu.memref_slice %arg6[%dma_start3A, %dma_start3A_3, %dma_start3A_4] : memref<2x200x64xf32, #tpu.memory_space<vmem>> -> memref<1x128x64xf32, #tpu.memory_space<vmem>>
    %dma_start3A_6 = tpu.memref_squeeze %dma_start3A_5 : memref<1x128x64xf32, #tpu.memory_space<vmem>> -> memref<128x64xf32, #tpu.memory_space<vmem>>
    %dma_start3A_7 = arith.constant 0 : i32
    %dma_start3A_8 = tpu.memref_slice %arg5[%dma_start3A_7] : memref<25600xi32, #tpu.memory_space<vmem>> -> memref<128xi32, #tpu.memory_space<vmem>>
    %dma_start3A_9 = arith.constant 0 : i32
    %dma_start3A_10 = arith.constant 0 : i32
    %dma_start3A_11 = tpu.memref_slice %arg3[%dma_start3A_9, %dma_start3A_10] : memref<1000000x64xf32, #tpu.memory_space<hbm>> -> memref<1000000x64xf32, #tpu.memory_space<hbm>>
    tpu.enqueue_indirect_dma source(%dma_start3A_11 : memref<1000000x64xf32, #tpu.memory_space<hbm>>) target(%dma_start3A_6 : memref<128x64xf32, #tpu.memory_space<vmem>>) offsets(%dma_start3A_8 : memref<128xi32, #tpu.memory_space<vmem>>) semaphore(%arg8 : memref<!tpu.dma_semaphore, #tpu.memory_space<semaphore_mem>>)
    %dma_start3A_12 = arith.constant 0 : i32
    %dma_start3A_13 = arith.constant 128 : i32
    %dma_start3A_14 = arith.constant 0 : i32
    %dma_start3A_15 = tpu.memref_slice %arg6[%dma_start3A_12, %dma_start3A_13, %dma_start3A_14] : memref<2x200x64xf32, #tpu.memory_space<vmem>> -> memref<1x72x64xf32, #tpu.memory_space<vmem>>
    %dma_start3A_16 = tpu.memref_squeeze %dma_start3A_15 : memref<1x72x64xf32, #tpu.memory_space<vmem>> -> memref<72x64xf32, #tpu.memory_space<vmem>>
    %dma_start3A_17 = arith.constant 128 : i32
    %dma_start3A_18 = tpu.memref_slice %arg5[%dma_start3A_17] : memref<25600xi32, #tpu.memory_space<vmem>> -> memref<72xi32, #tpu.memory_space<vmem>>
    %dma_start3A_19 = arith.constant 0 : i32
    %dma_start3A_20 = arith.constant 0 : i32
    %dma_start3A_21 = tpu.memref_slice %arg3[%dma_start3A_19, %dma_start3A_20] : memref<1000000x64xf32, #tpu.memory_space<hbm>> -> memref<1000000x64xf32, #tpu.memory_space<hbm>>
    tpu.enqueue_indirect_dma source(%dma_start3A_21 : memref<1000000x64xf32, #tpu.memory_space<hbm>>) target(%dma_start3A_16 : memref<72x64xf32, #tpu.memory_space<vmem>>) offsets(%dma_start3A_18 : memref<72xi32, #tpu.memory_space<vmem>>) semaphore(%arg8 : memref<!tpu.dma_semaphore, #tpu.memory_space<semaphore_mem>>)
    %dma_start3A_22 = arith.constant 1 : i32
    %dma_start3A_23 = arith.constant 0 : i32
    %dma_start3A_24 = arith.constant 0 : i32
    %dma_start3A_25 = tpu.memref_slice %arg6[%dma_start3A_22, %dma_start3A_23, %dma_start3A_24] : memref<2x200x64xf32, #tpu.memory_space<vmem>> -> memref<1x128x64xf32, #tpu.memory_space<vmem>>
    %dma_start3A_26 = tpu.memref_squeeze %dma_start3A_25 : memref<1x128x64xf32, #tpu.memory_space<vmem>> -> memref<128x64xf32, #tpu.memory_space<vmem>>
    %dma_start3A_27 = arith.constant 200 : i32
    %dma_start3A_28 = tpu.memref_slice %arg5[%dma_start3A_27] : memref<25600xi32, #tpu.memory_space<vmem>> -> memref<128xi32, #tpu.memory_space<vmem>>
    %dma_start3A_29 = arith.constant 0 : i32
    %dma_start3A_30 = arith.constant 0 : i32
    %dma_start3A_31 = tpu.memref_slice %arg3[%dma_start3A_29, %dma_start3A_30] : memref<1000000x64xf32, #tpu.memory_space<hbm>> -> memref<1000000x64xf32, #tpu.memory_space<hbm>>
    tpu.enqueue_indirect_dma source(%dma_start3A_31 : memref<1000000x64xf32, #tpu.memory_space<hbm>>) target(%dma_start3A_26 : memref<128x64xf32, #tpu.memory_space<vmem>>) offsets(%dma_start3A_28 : memref<128xi32, #tpu.memory_space<vmem>>) semaphore(%arg9 : memref<!tpu.dma_semaphore, #tpu.memory_space<semaphore_mem>>)
    %dma_start3A_32 = arith.constant 1 : i32
    %dma_start3A_33 = arith.constant 128 : i32
    %dma_start3A_34 = arith.constant 0 : i32
    %dma_start3A_35 = tpu.memref_slice %arg6[%dma_start3A_32, %dma_start3A_33, %dma_start3A_34] : memref<2x200x64xf32, #tpu.memory_space<vmem>> -> memref<1x72x64xf32, #tpu.memory_space<vmem>>
    %dma_start3A_36 = tpu.memref_squeeze %dma_start3A_35 : memref<1x72x64xf32, #tpu.memory_space<vmem>> -> memref<72x64xf32, #tpu.memory_space<vmem>>
    %dma_start3A_37 = arith.constant 328 : i32
    %dma_start3A_38 = tpu.memref_slice %arg5[%dma_start3A_37] : memref<25600xi32, #tpu.memory_space<vmem>> -> memref<72xi32, #tpu.memory_space<vmem>>
    %dma_start3A_39 = arith.constant 0 : i32
    %dma_start3A_40 = arith.constant 0 : i32
    %dma_start3A_41 = tpu.memref_slice %arg3[%dma_start3A_39, %dma_start3A_40] : memref<1000000x64xf32, #tpu.memory_space<hbm>> -> memref<1000000x64xf32, #tpu.memory_space<hbm>>
    tpu.enqueue_indirect_dma source(%dma_start3A_41 : memref<1000000x64xf32, #tpu.memory_space<hbm>>) target(%dma_start3A_36 : memref<72x64xf32, #tpu.memory_space<vmem>>) offsets(%dma_start3A_38 : memref<72xi32, #tpu.memory_space<vmem>>) semaphore(%arg9 : memref<!tpu.dma_semaphore, #tpu.memory_space<semaphore_mem>>)
    %scan3A = arith.constant 0 : i32
    %scan3A_42 = arith.constant 0 : i32
    %scan3A_43 = arith.constant 64 : i32
    %scan3A_44 = arith.addi %scan3A_42, %scan3A_43 : i32
    %scan3A_45 = arith.constant 1 : i32
    scf.for %scan3A_49 = %scan3A_42 to %scan3A_44 step %scan3A_45  : i32 {
      %mul3A_50 = arith.constant 2 : i32
      %mul3A_51 = arith.muli %mul3A_50, %scan3A_49 : i32
      %add3A_52 = arith.constant 0 : i32
      %add3A_53 = arith.addi %mul3A_51, %add3A_52 : i32
      %mul3A_54 = arith.constant 200 : i32
      %mul3A_55 = arith.muli %add3A_53, %mul3A_54 : i32
      %dma_wait3A = arith.constant 0 : i32
      %dma_wait3A_56 = arith.constant 0 : i32
      %dma_wait3A_57 = arith.constant 0 : i32
      %dma_wait3A_58 = tpu.memref_slice %arg6[%dma_wait3A, %dma_wait3A_56, %dma_wait3A_57] : memref<2x200x64xf32, #tpu.memory_space<vmem>> -> memref<1x128x64xf32, #tpu.memory_space<vmem>>
      %dma_wait3A_59 = tpu.memref_squeeze %dma_wait3A_58 : memref<1x128x64xf32, #tpu.memory_space<vmem>> -> memref<128x64xf32, #tpu.memory_space<vmem>>
      %dma_wait3A_60 = tpu.memref_slice %arg5[%mul3A_55] : memref<25600xi32, #tpu.memory_space<vmem>> -> memref<128xi32, #tpu.memory_space<vmem>>
      %dma_wait3A_61 = arith.constant 0 : i32
      %dma_wait3A_62 = arith.constant 0 : i32
      %dma_wait3A_63 = tpu.memref_slice %arg3[%dma_wait3A_61, %dma_wait3A_62] : memref<1000000x64xf32, #tpu.memory_space<hbm>> -> memref<1000000x64xf32, #tpu.memory_space<hbm>>
      tpu.wait_indirect_dma semaphore(%arg8 : memref<!tpu.dma_semaphore, #tpu.memory_space<semaphore_mem>>) src(%dma_wait3A_63 : memref<1000000x64xf32, #tpu.memory_space<hbm>>) dst(%dma_wait3A_59 : memref<128x64xf32, #tpu.memory_space<vmem>>)
      %add3A_64 = arith.constant 128 : i32
      %add3A_65 = arith.addi %mul3A_55, %add3A_64 : i32
      %dma_wait3A_66 = arith.constant 0 : i32
      %dma_wait3A_67 = arith.constant 128 : i32
      %dma_wait3A_68 = arith.constant 0 : i32
      %dma_wait3A_69 = tpu.memref_slice %arg6[%dma_wait3A_66, %dma_wait3A_67, %dma_wait3A_68] : memref<2x200x64xf32, #tpu.memory_space<vmem>> -> memref<1x72x64xf32, #tpu.memory_space<vmem>>
      %dma_wait3A_70 = tpu.memref_squeeze %dma_wait3A_69 : memref<1x72x64xf32, #tpu.memory_space<vmem>> -> memref<72x64xf32, #tpu.memory_space<vmem>>
      %dma_wait3A_71 = tpu.memref_slice %arg5[%add3A_65] : memref<25600xi32, #tpu.memory_space<vmem>> -> memref<72xi32, #tpu.memory_space<vmem>>
      %dma_wait3A_72 = arith.constant 0 : i32
      %dma_wait3A_73 = arith.constant 0 : i32
      %dma_wait3A_74 = tpu.memref_slice %arg3[%dma_wait3A_72, %dma_wait3A_73] : memref<1000000x64xf32, #tpu.memory_space<hbm>> -> memref<1000000x64xf32, #tpu.memory_space<hbm>>
      tpu.wait_indirect_dma semaphore(%arg8 : memref<!tpu.dma_semaphore, #tpu.memory_space<semaphore_mem>>) src(%dma_wait3A_74 : memref<1000000x64xf32, #tpu.memory_space<hbm>>) dst(%dma_wait3A_70 : memref<72x64xf32, #tpu.memory_space<vmem>>)
      %add3A_75 = arith.constant 2 : i32
      %add3A_76 = arith.addi %add3A_53, %add3A_75 : i32
      %lt3A = arith.constant 128 : i32
      %lt3A_77 = arith.cmpi slt, %add3A_76, %lt3A : i32
      %convert_element_type3A = arith.extui %lt3A_77 : i1 to i32
      %cond3A = arith.constant 0 : i32
      %cond3A_78 = arith.cmpi ne, %convert_element_type3A, %cond3A : i32
      scf.if %cond3A_78 {
        %add3A_178 = arith.constant 2 : i32
        %add3A_179 = arith.addi %add3A_53, %add3A_178 : i32
        %mul3A_180 = arith.constant 200 : i32
        %mul3A_181 = arith.muli %add3A_179, %mul3A_180 : i32
        %dma_start3A_182 = arith.constant 0 : i32
        %dma_start3A_183 = arith.constant 0 : i32
        %dma_start3A_184 = arith.constant 0 : i32
        %dma_start3A_185 = tpu.memref_slice %arg6[%dma_start3A_182, %dma_start3A_183, %dma_start3A_184] : memref<2x200x64xf32, #tpu.memory_space<vmem>> -> memref<1x128x64xf32, #tpu.memory_space<vmem>>
        %dma_start3A_186 = tpu.memref_squeeze %dma_start3A_185 : memref<1x128x64xf32, #tpu.memory_space<vmem>> -> memref<128x64xf32, #tpu.memory_space<vmem>>
        %dma_start3A_187 = tpu.memref_slice %arg5[%mul3A_181] : memref<25600xi32, #tpu.memory_space<vmem>> -> memref<128xi32, #tpu.memory_space<vmem>>
        %dma_start3A_188 = arith.constant 0 : i32
        %dma_start3A_189 = arith.constant 0 : i32
        %dma_start3A_190 = tpu.memref_slice %arg3[%dma_start3A_188, %dma_start3A_189] : memref<1000000x64xf32, #tpu.memory_space<hbm>> -> memref<1000000x64xf32, #tpu.memory_space<hbm>>
        tpu.enqueue_indirect_dma source(%dma_start3A_190 : memref<1000000x64xf32, #tpu.memory_space<hbm>>) target(%dma_start3A_186 : memref<128x64xf32, #tpu.memory_space<vmem>>) offsets(%dma_start3A_187 : memref<128xi32, #tpu.memory_space<vmem>>) semaphore(%arg8 : memref<!tpu.dma_semaphore, #tpu.memory_space<semaphore_mem>>)
        %add3A_191 = arith.constant 128 : i32
        %add3A_192 = arith.addi %mul3A_181, %add3A_191 : i32
        %dma_start3A_193 = arith.constant 0 : i32
        %dma_start3A_194 = arith.constant 128 : i32
        %dma_start3A_195 = arith.constant 0 : i32
        %dma_start3A_196 = tpu.memref_slice %arg6[%dma_start3A_193, %dma_start3A_194, %dma_start3A_195] : memref<2x200x64xf32, #tpu.memory_space<vmem>> -> memref<1x72x64xf32, #tpu.memory_space<vmem>>
        %dma_start3A_197 = tpu.memref_squeeze %dma_start3A_196 : memref<1x72x64xf32, #tpu.memory_space<vmem>> -> memref<72x64xf32, #tpu.memory_space<vmem>>
        %dma_start3A_198 = tpu.memref_slice %arg5[%add3A_192] : memref<25600xi32, #tpu.memory_space<vmem>> -> memref<72xi32, #tpu.memory_space<vmem>>
        %dma_start3A_199 = arith.constant 0 : i32
        %dma_start3A_200 = arith.constant 0 : i32
        %dma_start3A_201 = tpu.memref_slice %arg3[%dma_start3A_199, %dma_start3A_200] : memref<1000000x64xf32, #tpu.memory_space<hbm>> -> memref<1000000x64xf32, #tpu.memory_space<hbm>>
        tpu.enqueue_indirect_dma source(%dma_start3A_201 : memref<1000000x64xf32, #tpu.memory_space<hbm>>) target(%dma_start3A_197 : memref<72x64xf32, #tpu.memory_space<vmem>>) offsets(%dma_start3A_198 : memref<72xi32, #tpu.memory_space<vmem>>) semaphore(%arg8 : memref<!tpu.dma_semaphore, #tpu.memory_space<semaphore_mem>>)
      } else {
      }
      %broadcast_in_dim3A = arith.constant 0.000000e+00 : f32
      %broadcast_in_dim3A_79 = vector.broadcast %broadcast_in_dim3A : f32 to vector<16xf32>
      %broadcast_in_dim3A_80 = arith.constant 0.000000e+00 : f32
      %broadcast_in_dim3A_81 = vector.broadcast %broadcast_in_dim3A_80 : f32 to vector<16xf32>
      %broadcast_in_dim3A_82 = arith.constant 0.000000e+00 : f32
      %broadcast_in_dim3A_83 = vector.broadcast %broadcast_in_dim3A_82 : f32 to vector<16xf32>
      %broadcast_in_dim3A_84 = arith.constant 0.000000e+00 : f32
      %broadcast_in_dim3A_85 = vector.broadcast %broadcast_in_dim3A_84 : f32 to vector<16xf32>
      %scan3A_86 = arith.constant 0 : i32
      %scan3A_87 = arith.constant 100 : i32
      %scan3A_88 = arith.addi %scan3A_86, %scan3A_87 : i32
      %scan3A_89 = arith.constant 1 : i32
      %scan3A_90:4 = scf.for %scan3A_178 = %scan3A_86 to %scan3A_88 step %scan3A_89 iter_args(%scan3A_179 = %broadcast_in_dim3A_79, %scan3A_180 = %broadcast_in_dim3A_81, %scan3A_181 = %broadcast_in_dim3A_83, %scan3A_182 = %broadcast_in_dim3A_85) -> (vector<16xf32>, vector<16xf32>, vector<16xf32>, vector<16xf32>)  : i32 {
        %mul3A_183 = arith.constant 2 : i32
        %mul3A_184 = arith.muli %mul3A_183, %scan3A_178 : i32
        %get3A = arith.constant 0 : i32
        %get3A_185 = arith.index_cast %get3A : i32 to index
        %get3A_186 = arith.index_cast %mul3A_184 : i32 to index
        %get3A_187 = arith.constant 0 : index
        %get3A_188 = tpu.vector_load %arg6[%get3A_185, %get3A_186, %get3A_187] {strides = array<i32>} : memref<2x200x64xf32, #tpu.memory_space<vmem>>, vector<1x1x16xf32>,
        %get3A_189 = vector.shape_cast %get3A_188 : vector<1x1x16xf32> to vector<16xf32>
        %mul3A_190 = arith.constant 2 : i32
        %mul3A_191 = arith.muli %mul3A_190, %scan3A_178 : i32
        %add3A_192 = arith.constant 1 : i32
        %add3A_193 = arith.addi %mul3A_191, %add3A_192 : i32
        %get3A_194 = arith.constant 0 : i32
        %get3A_195 = arith.index_cast %get3A_194 : i32 to index
        %get3A_196 = arith.index_cast %add3A_193 : i32 to index
        %get3A_197 = arith.constant 0 : index
        %get3A_198 = tpu.vector_load %arg6[%get3A_195, %get3A_196, %get3A_197] {strides = array<i32>} : memref<2x200x64xf32, #tpu.memory_space<vmem>>, vector<1x1x16xf32>,
        %get3A_199 = vector.shape_cast %get3A_198 : vector<1x1x16xf32> to vector<16xf32>
        %add3A_200 = arith.addf %scan3A_179, %get3A_189 : vector<16xf32>
        %add3A_201 = arith.addf %add3A_200, %get3A_199 : vector<16xf32>
        %mul3A_202 = arith.constant 2 : i32
        %mul3A_203 = arith.muli %mul3A_202, %scan3A_178 : i32
        %get3A_204 = arith.constant 0 : i32
        %get3A_205 = arith.index_cast %get3A_204 : i32 to index
        %get3A_206 = arith.index_cast %mul3A_203 : i32 to index
        %get3A_207 = arith.constant 16 : index
        %get3A_208 = tpu.vector_load %arg6[%get3A_205, %get3A_206, %get3A_207] {strides = array<i32>} : memref<2x200x64xf32, #tpu.memory_space<vmem>>, vector<1x1x16xf32>,
        %get3A_209 = vector.shape_cast %get3A_208 : vector<1x1x16xf32> to vector<16xf32>
        %mul3A_210 = arith.constant 2 : i32
        %mul3A_211 = arith.muli %mul3A_210, %scan3A_178 : i32
        %add3A_212 = arith.constant 1 : i32
        %add3A_213 = arith.addi %mul3A_211, %add3A_212 : i32
        %get3A_214 = arith.constant 0 : i32
        %get3A_215 = arith.index_cast %get3A_214 : i32 to index
        %get3A_216 = arith.index_cast %add3A_213 : i32 to index
        %get3A_217 = arith.constant 16 : index
        %get3A_218 = tpu.vector_load %arg6[%get3A_215, %get3A_216, %get3A_217] {strides = array<i32>} : memref<2x200x64xf32, #tpu.memory_space<vmem>>, vector<1x1x16xf32>,
        %get3A_219 = vector.shape_cast %get3A_218 : vector<1x1x16xf32> to vector<16xf32>
        %add3A_220 = arith.addf %scan3A_180, %get3A_209 : vector<16xf32>
        %add3A_221 = arith.addf %add3A_220, %get3A_219 : vector<16xf32>
        %mul3A_222 = arith.constant 2 : i32
        %mul3A_223 = arith.muli %mul3A_222, %scan3A_178 : i32
        %get3A_224 = arith.constant 0 : i32
        %get3A_225 = arith.index_cast %get3A_224 : i32 to index
        %get3A_226 = arith.index_cast %mul3A_223 : i32 to index
        %get3A_227 = arith.constant 32 : index
        %get3A_228 = tpu.vector_load %arg6[%get3A_225, %get3A_226, %get3A_227] {strides = array<i32>} : memref<2x200x64xf32, #tpu.memory_space<vmem>>, vector<1x1x16xf32>,
        %get3A_229 = vector.shape_cast %get3A_228 : vector<1x1x16xf32> to vector<16xf32>
        %mul3A_230 = arith.constant 2 : i32
        %mul3A_231 = arith.muli %mul3A_230, %scan3A_178 : i32
        %add3A_232 = arith.constant 1 : i32
        %add3A_233 = arith.addi %mul3A_231, %add3A_232 : i32
        %get3A_234 = arith.constant 0 : i32
        %get3A_235 = arith.index_cast %get3A_234 : i32 to index
        %get3A_236 = arith.index_cast %add3A_233 : i32 to index
        %get3A_237 = arith.constant 32 : index
        %get3A_238 = tpu.vector_load %arg6[%get3A_235, %get3A_236, %get3A_237] {strides = array<i32>} : memref<2x200x64xf32, #tpu.memory_space<vmem>>, vector<1x1x16xf32>,
        %get3A_239 = vector.shape_cast %get3A_238 : vector<1x1x16xf32> to vector<16xf32>
        %add3A_240 = arith.addf %scan3A_181, %get3A_229 : vector<16xf32>
        %add3A_241 = arith.addf %add3A_240, %get3A_239 : vector<16xf32>
        %mul3A_242 = arith.constant 2 : i32
        %mul3A_243 = arith.muli %mul3A_242, %scan3A_178 : i32
        %get3A_244 = arith.constant 0 : i32
        %get3A_245 = arith.index_cast %get3A_244 : i32 to index
        %get3A_246 = arith.index_cast %mul3A_243 : i32 to index
        %get3A_247 = arith.constant 48 : index
        %get3A_248 = tpu.vector_load %arg6[%get3A_245, %get3A_246, %get3A_247] {strides = array<i32>} : memref<2x200x64xf32, #tpu.memory_space<vmem>>, vector<1x1x16xf32>,
        %get3A_249 = vector.shape_cast %get3A_248 : vector<1x1x16xf32> to vector<16xf32>
        %mul3A_250 = arith.constant 2 : i32
        %mul3A_251 = arith.muli %mul3A_250, %scan3A_178 : i32
        %add3A_252 = arith.constant 1 : i32
        %add3A_253 = arith.addi %mul3A_251, %add3A_252 : i32
        %get3A_254 = arith.constant 0 : i32
        %get3A_255 = arith.index_cast %get3A_254 : i32 to index
        %get3A_256 = arith.index_cast %add3A_253 : i32 to index
        %get3A_257 = arith.constant 48 : index
        %get3A_258 = tpu.vector_load %arg6[%get3A_255, %get3A_256, %get3A_257] {strides = array<i32>} : memref<2x200x64xf32, #tpu.memory_space<vmem>>, vector<1x1x16xf32>,
        %get3A_259 = vector.shape_cast %get3A_258 : vector<1x1x16xf32> to vector<16xf32>
        %add3A_260 = arith.addf %scan3A_182, %get3A_249 : vector<16xf32>
        %add3A_261 = arith.addf %add3A_260, %get3A_259 : vector<16xf32>
        scf.yield %add3A_201, %add3A_221, %add3A_241, %add3A_261 : vector<16xf32>, vector<16xf32>, vector<16xf32>, vector<16xf32>
      }
      %scan3A_91 = arith.constant 100 : i32
      %swap3A = arith.index_cast %add3A_53 : i32 to index
      %swap3A_92 = arith.constant 0 : index
      %swap3A_93 = tpu.vector_load %arg7[%swap3A, %swap3A_92] {strides = array<i32>} : memref<128x64xf32, #tpu.memory_space<vmem>>, vector<1x16xf32>,
      %swap3A_94 = vector.shape_cast %swap3A_93 : vector<1x16xf32> to vector<16xf32>
      %swap3A_95 = vector.shape_cast %scan3A_90#0 : vector<16xf32> to vector<1x16xf32>
      tpu.vector_store %arg7[%swap3A, %swap3A_92], %swap3A_95 {strides = array<i32>} : memref<128x64xf32, #tpu.memory_space<vmem>>, vector<1x16xf32>,
      %swap3A_96 = arith.index_cast %add3A_53 : i32 to index
      %swap3A_97 = arith.constant 16 : index
      %swap3A_98 = tpu.vector_load %arg7[%swap3A_96, %swap3A_97] {strides = array<i32>} : memref<128x64xf32, #tpu.memory_space<vmem>>, vector<1x16xf32>,
      %swap3A_99 = vector.shape_cast %swap3A_98 : vector<1x16xf32> to vector<16xf32>
      %swap3A_100 = vector.shape_cast %scan3A_90#1 : vector<16xf32> to vector<1x16xf32>
      tpu.vector_store %arg7[%swap3A_96, %swap3A_97], %swap3A_100 {strides = array<i32>} : memref<128x64xf32, #tpu.memory_space<vmem>>, vector<1x16xf32>,
      %swap3A_101 = arith.index_cast %add3A_53 : i32 to index
      %swap3A_102 = arith.constant 32 : index
      %swap3A_103 = tpu.vector_load %arg7[%swap3A_101, %swap3A_102] {strides = array<i32>} : memref<128x64xf32, #tpu.memory_space<vmem>>, vector<1x16xf32>,
      %swap3A_104 = vector.shape_cast %swap3A_103 : vector<1x16xf32> to vector<16xf32>
      %swap3A_105 = vector.shape_cast %scan3A_90#2 : vector<16xf32> to vector<1x16xf32>
      tpu.vector_store %arg7[%swap3A_101, %swap3A_102], %swap3A_105 {strides = array<i32>} : memref<128x64xf32, #tpu.memory_space<vmem>>, vector<1x16xf32>,
      %swap3A_106 = arith.index_cast %add3A_53 : i32 to index
      %swap3A_107 = arith.constant 48 : index
      %swap3A_108 = tpu.vector_load %arg7[%swap3A_106, %swap3A_107] {strides = array<i32>} : memref<128x64xf32, #tpu.memory_space<vmem>>, vector<1x16xf32>,
      %swap3A_109 = vector.shape_cast %swap3A_108 : vector<1x16xf32> to vector<16xf32>
      %swap3A_110 = vector.shape_cast %scan3A_90#3 : vector<16xf32> to vector<1x16xf32>
      tpu.vector_store %arg7[%swap3A_106, %swap3A_107], %swap3A_110 {strides = array<i32>} : memref<128x64xf32, #tpu.memory_space<vmem>>, vector<1x16xf32>,
      %mul3A_111 = arith.constant 2 : i32
      %mul3A_112 = arith.muli %mul3A_111, %scan3A_49 : i32
      %add3A_113 = arith.constant 1 : i32
      %add3A_114 = arith.addi %mul3A_112, %add3A_113 : i32
      %mul3A_115 = arith.constant 200 : i32
      %mul3A_116 = arith.muli %add3A_114, %mul3A_115 : i32
      %dma_wait3A_117 = arith.constant 1 : i32
      %dma_wait3A_118 = arith.constant 0 : i32
      %dma_wait3A_119 = arith.constant 0 : i32
      %dma_wait3A_120 = tpu.memref_slice %arg6[%dma_wait3A_117, %dma_wait3A_118, %dma_wait3A_119] : memref<2x200x64xf32, #tpu.memory_space<vmem>> -> memref<1x128x64xf32, #tpu.memory_space<vmem>>
      %dma_wait3A_121 = tpu.memref_squeeze %dma_wait3A_120 : memref<1x128x64xf32, #tpu.memory_space<vmem>> -> memref<128x64xf32, #tpu.memory_space<vmem>>
      %dma_wait3A_122 = tpu.memref_slice %arg5[%mul3A_116] : memref<25600xi32, #tpu.memory_space<vmem>> -> memref<128xi32, #tpu.memory_space<vmem>>
      %dma_wait3A_123 = arith.constant 0 : i32
      %dma_wait3A_124 = arith.constant 0 : i32
      %dma_wait3A_125 = tpu.memref_slice %arg3[%dma_wait3A_123, %dma_wait3A_124] : memref<1000000x64xf32, #tpu.memory_space<hbm>> -> memref<1000000x64xf32, #tpu.memory_space<hbm>>
      tpu.wait_indirect_dma semaphore(%arg9 : memref<!tpu.dma_semaphore, #tpu.memory_space<semaphore_mem>>) src(%dma_wait3A_125 : memref<1000000x64xf32, #tpu.memory_space<hbm>>) dst(%dma_wait3A_121 : memref<128x64xf32, #tpu.memory_space<vmem>>)
      %add3A_126 = arith.constant 128 : i32
      %add3A_127 = arith.addi %mul3A_116, %add3A_126 : i32
      %dma_wait3A_128 = arith.constant 1 : i32
      %dma_wait3A_129 = arith.constant 128 : i32
      %dma_wait3A_130 = arith.constant 0 : i32
      %dma_wait3A_131 = tpu.memref_slice %arg6[%dma_wait3A_128, %dma_wait3A_129, %dma_wait3A_130] : memref<2x200x64xf32, #tpu.memory_space<vmem>> -> memref<1x72x64xf32, #tpu.memory_space<vmem>>
      %dma_wait3A_132 = tpu.memref_squeeze %dma_wait3A_131 : memref<1x72x64xf32, #tpu.memory_space<vmem>> -> memref<72x64xf32, #tpu.memory_space<vmem>>
      %dma_wait3A_133 = tpu.memref_slice %arg5[%add3A_127] : memref<25600xi32, #tpu.memory_space<vmem>> -> memref<72xi32, #tpu.memory_space<vmem>>
      %dma_wait3A_134 = arith.constant 0 : i32
      %dma_wait3A_135 = arith.constant 0 : i32
      %dma_wait3A_136 = tpu.memref_slice %arg3[%dma_wait3A_134, %dma_wait3A_135] : memref<1000000x64xf32, #tpu.memory_space<hbm>> -> memref<1000000x64xf32, #tpu.memory_space<hbm>>
      tpu.wait_indirect_dma semaphore(%arg9 : memref<!tpu.dma_semaphore, #tpu.memory_space<semaphore_mem>>) src(%dma_wait3A_136 : memref<1000000x64xf32, #tpu.memory_space<hbm>>) dst(%dma_wait3A_132 : memref<72x64xf32, #tpu.memory_space<vmem>>)
      %add3A_137 = arith.constant 2 : i32
      %add3A_138 = arith.addi %add3A_114, %add3A_137 : i32
      %lt3A_139 = arith.constant 128 : i32
      %lt3A_140 = arith.cmpi slt, %add3A_138, %lt3A_139 : i32
      %convert_element_type3A_141 = arith.extui %lt3A_140 : i1 to i32
      %cond3A_142 = arith.constant 0 : i32
      %cond3A_143 = arith.cmpi ne, %convert_element_type3A_141, %cond3A_142 : i32
      scf.if %cond3A_143 {
        %add3A_178 = arith.constant 2 : i32
        %add3A_179 = arith.addi %add3A_114, %add3A_178 : i32
        %mul3A_180 = arith.constant 200 : i32
        %mul3A_181 = arith.muli %add3A_179, %mul3A_180 : i32
        %dma_start3A_182 = arith.constant 1 : i32
        %dma_start3A_183 = arith.constant 0 : i32
        %dma_start3A_184 = arith.constant 0 : i32
        %dma_start3A_185 = tpu.memref_slice %arg6[%dma_start3A_182, %dma_start3A_183, %dma_start3A_184] : memref<2x200x64xf32, #tpu.memory_space<vmem>> -> memref<1x128x64xf32, #tpu.memory_space<vmem>>
        %dma_start3A_186 = tpu.memref_squeeze %dma_start3A_185 : memref<1x128x64xf32, #tpu.memory_space<vmem>> -> memref<128x64xf32, #tpu.memory_space<vmem>>
        %dma_start3A_187 = tpu.memref_slice %arg5[%mul3A_181] : memref<25600xi32, #tpu.memory_space<vmem>> -> memref<128xi32, #tpu.memory_space<vmem>>
        %dma_start3A_188 = arith.constant 0 : i32
        %dma_start3A_189 = arith.constant 0 : i32
        %dma_start3A_190 = tpu.memref_slice %arg3[%dma_start3A_188, %dma_start3A_189] : memref<1000000x64xf32, #tpu.memory_space<hbm>> -> memref<1000000x64xf32, #tpu.memory_space<hbm>>
        tpu.enqueue_indirect_dma source(%dma_start3A_190 : memref<1000000x64xf32, #tpu.memory_space<hbm>>) target(%dma_start3A_186 : memref<128x64xf32, #tpu.memory_space<vmem>>) offsets(%dma_start3A_187 : memref<128xi32, #tpu.memory_space<vmem>>) semaphore(%arg9 : memref<!tpu.dma_semaphore, #tpu.memory_space<semaphore_mem>>)
        %add3A_191 = arith.constant 128 : i32
        %add3A_192 = arith.addi %mul3A_181, %add3A_191 : i32
        %dma_start3A_193 = arith.constant 1 : i32
        %dma_start3A_194 = arith.constant 128 : i32
        %dma_start3A_195 = arith.constant 0 : i32
        %dma_start3A_196 = tpu.memref_slice %arg6[%dma_start3A_193, %dma_start3A_194, %dma_start3A_195] : memref<2x200x64xf32, #tpu.memory_space<vmem>> -> memref<1x72x64xf32, #tpu.memory_space<vmem>>
        %dma_start3A_197 = tpu.memref_squeeze %dma_start3A_196 : memref<1x72x64xf32, #tpu.memory_space<vmem>> -> memref<72x64xf32, #tpu.memory_space<vmem>>
        %dma_start3A_198 = tpu.memref_slice %arg5[%add3A_192] : memref<25600xi32, #tpu.memory_space<vmem>> -> memref<72xi32, #tpu.memory_space<vmem>>
        %dma_start3A_199 = arith.constant 0 : i32
        %dma_start3A_200 = arith.constant 0 : i32
        %dma_start3A_201 = tpu.memref_slice %arg3[%dma_start3A_199, %dma_start3A_200] : memref<1000000x64xf32, #tpu.memory_space<hbm>> -> memref<1000000x64xf32, #tpu.memory_space<hbm>>
        tpu.enqueue_indirect_dma source(%dma_start3A_201 : memref<1000000x64xf32, #tpu.memory_space<hbm>>) target(%dma_start3A_197 : memref<72x64xf32, #tpu.memory_space<vmem>>) offsets(%dma_start3A_198 : memref<72xi32, #tpu.memory_space<vmem>>) semaphore(%arg9 : memref<!tpu.dma_semaphore, #tpu.memory_space<semaphore_mem>>)
      } else {
      }
      %broadcast_in_dim3A_144 = arith.constant 0.000000e+00 : f32
      %broadcast_in_dim3A_145 = vector.broadcast %broadcast_in_dim3A_144 : f32 to vector<16xf32>
      %broadcast_in_dim3A_146 = arith.constant 0.000000e+00 : f32
      %broadcast_in_dim3A_147 = vector.broadcast %broadcast_in_dim3A_146 : f32 to vector<16xf32>
      %broadcast_in_dim3A_148 = arith.constant 0.000000e+00 : f32
      %broadcast_in_dim3A_149 = vector.broadcast %broadcast_in_dim3A_148 : f32 to vector<16xf32>
      %broadcast_in_dim3A_150 = arith.constant 0.000000e+00 : f32
      %broadcast_in_dim3A_151 = vector.broadcast %broadcast_in_dim3A_150 : f32 to vector<16xf32>
      %scan3A_152 = arith.constant 0 : i32
      %scan3A_153 = arith.constant 100 : i32
      %scan3A_154 = arith.addi %scan3A_152, %scan3A_153 : i32
      %scan3A_155 = arith.constant 1 : i32
      %scan3A_156:4 = scf.for %scan3A_178 = %scan3A_152 to %scan3A_154 step %scan3A_155 iter_args(%scan3A_179 = %broadcast_in_dim3A_145, %scan3A_180 = %broadcast_in_dim3A_147, %scan3A_181 = %broadcast_in_dim3A_149, %scan3A_182 = %broadcast_in_dim3A_151) -> (vector<16xf32>, vector<16xf32>, vector<16xf32>, vector<16xf32>)  : i32 {
        %mul3A_183 = arith.constant 2 : i32
        %mul3A_184 = arith.muli %mul3A_183, %scan3A_178 : i32
        %get3A = arith.constant 1 : i32
        %get3A_185 = arith.index_cast %get3A : i32 to index
        %get3A_186 = arith.index_cast %mul3A_184 : i32 to index
        %get3A_187 = arith.constant 0 : index
        %get3A_188 = tpu.vector_load %arg6[%get3A_185, %get3A_186, %get3A_187] {strides = array<i32>} : memref<2x200x64xf32, #tpu.memory_space<vmem>>, vector<1x1x16xf32>,
        %get3A_189 = vector.shape_cast %get3A_188 : vector<1x1x16xf32> to vector<16xf32>
        %mul3A_190 = arith.constant 2 : i32
        %mul3A_191 = arith.muli %mul3A_190, %scan3A_178 : i32
        %add3A_192 = arith.constant 1 : i32
        %add3A_193 = arith.addi %mul3A_191, %add3A_192 : i32
        %get3A_194 = arith.constant 1 : i32
        %get3A_195 = arith.index_cast %get3A_194 : i32 to index
        %get3A_196 = arith.index_cast %add3A_193 : i32 to index
        %get3A_197 = arith.constant 0 : index
        %get3A_198 = tpu.vector_load %arg6[%get3A_195, %get3A_196, %get3A_197] {strides = array<i32>} : memref<2x200x64xf32, #tpu.memory_space<vmem>>, vector<1x1x16xf32>,
        %get3A_199 = vector.shape_cast %get3A_198 : vector<1x1x16xf32> to vector<16xf32>
        %add3A_200 = arith.addf %scan3A_179, %get3A_189 : vector<16xf32>
        %add3A_201 = arith.addf %add3A_200, %get3A_199 : vector<16xf32>
        %mul3A_202 = arith.constant 2 : i32
        %mul3A_203 = arith.muli %mul3A_202, %scan3A_178 : i32
        %get3A_204 = arith.constant 1 : i32
        %get3A_205 = arith.index_cast %get3A_204 : i32 to index
        %get3A_206 = arith.index_cast %mul3A_203 : i32 to index
        %get3A_207 = arith.constant 16 : index
        %get3A_208 = tpu.vector_load %arg6[%get3A_205, %get3A_206, %get3A_207] {strides = array<i32>} : memref<2x200x64xf32, #tpu.memory_space<vmem>>, vector<1x1x16xf32>,
        %get3A_209 = vector.shape_cast %get3A_208 : vector<1x1x16xf32> to vector<16xf32>
        %mul3A_210 = arith.constant 2 : i32
        %mul3A_211 = arith.muli %mul3A_210, %scan3A_178 : i32
        %add3A_212 = arith.constant 1 : i32
        %add3A_213 = arith.addi %mul3A_211, %add3A_212 : i32
        %get3A_214 = arith.constant 1 : i32
        %get3A_215 = arith.index_cast %get3A_214 : i32 to index
        %get3A_216 = arith.index_cast %add3A_213 : i32 to index
        %get3A_217 = arith.constant 16 : index
        %get3A_218 = tpu.vector_load %arg6[%get3A_215, %get3A_216, %get3A_217] {strides = array<i32>} : memref<2x200x64xf32, #tpu.memory_space<vmem>>, vector<1x1x16xf32>,
        %get3A_219 = vector.shape_cast %get3A_218 : vector<1x1x16xf32> to vector<16xf32>
        %add3A_220 = arith.addf %scan3A_180, %get3A_209 : vector<16xf32>
        %add3A_221 = arith.addf %add3A_220, %get3A_219 : vector<16xf32>
        %mul3A_222 = arith.constant 2 : i32
        %mul3A_223 = arith.muli %mul3A_222, %scan3A_178 : i32
        %get3A_224 = arith.constant 1 : i32
        %get3A_225 = arith.index_cast %get3A_224 : i32 to index
        %get3A_226 = arith.index_cast %mul3A_223 : i32 to index
        %get3A_227 = arith.constant 32 : index
        %get3A_228 = tpu.vector_load %arg6[%get3A_225, %get3A_226, %get3A_227] {strides = array<i32>} : memref<2x200x64xf32, #tpu.memory_space<vmem>>, vector<1x1x16xf32>,
        %get3A_229 = vector.shape_cast %get3A_228 : vector<1x1x16xf32> to vector<16xf32>
        %mul3A_230 = arith.constant 2 : i32
        %mul3A_231 = arith.muli %mul3A_230, %scan3A_178 : i32
        %add3A_232 = arith.constant 1 : i32
        %add3A_233 = arith.addi %mul3A_231, %add3A_232 : i32
        %get3A_234 = arith.constant 1 : i32
        %get3A_235 = arith.index_cast %get3A_234 : i32 to index
        %get3A_236 = arith.index_cast %add3A_233 : i32 to index
        %get3A_237 = arith.constant 32 : index
        %get3A_238 = tpu.vector_load %arg6[%get3A_235, %get3A_236, %get3A_237] {strides = array<i32>} : memref<2x200x64xf32, #tpu.memory_space<vmem>>, vector<1x1x16xf32>,
        %get3A_239 = vector.shape_cast %get3A_238 : vector<1x1x16xf32> to vector<16xf32>
        %add3A_240 = arith.addf %scan3A_181, %get3A_229 : vector<16xf32>
        %add3A_241 = arith.addf %add3A_240, %get3A_239 : vector<16xf32>
        %mul3A_242 = arith.constant 2 : i32
        %mul3A_243 = arith.muli %mul3A_242, %scan3A_178 : i32
        %get3A_244 = arith.constant 1 : i32
        %get3A_245 = arith.index_cast %get3A_244 : i32 to index
        %get3A_246 = arith.index_cast %mul3A_243 : i32 to index
        %get3A_247 = arith.constant 48 : index
        %get3A_248 = tpu.vector_load %arg6[%get3A_245, %get3A_246, %get3A_247] {strides = array<i32>} : memref<2x200x64xf32, #tpu.memory_space<vmem>>, vector<1x1x16xf32>,
        %get3A_249 = vector.shape_cast %get3A_248 : vector<1x1x16xf32> to vector<16xf32>
        %mul3A_250 = arith.constant 2 : i32
        %mul3A_251 = arith.muli %mul3A_250, %scan3A_178 : i32
        %add3A_252 = arith.constant 1 : i32
        %add3A_253 = arith.addi %mul3A_251, %add3A_252 : i32
        %get3A_254 = arith.constant 1 : i32
        %get3A_255 = arith.index_cast %get3A_254 : i32 to index
        %get3A_256 = arith.index_cast %add3A_253 : i32 to index
        %get3A_257 = arith.constant 48 : index
        %get3A_258 = tpu.vector_load %arg6[%get3A_255, %get3A_256, %get3A_257] {strides = array<i32>} : memref<2x200x64xf32, #tpu.memory_space<vmem>>, vector<1x1x16xf32>,
        %get3A_259 = vector.shape_cast %get3A_258 : vector<1x1x16xf32> to vector<16xf32>
        %add3A_260 = arith.addf %scan3A_182, %get3A_249 : vector<16xf32>
        %add3A_261 = arith.addf %add3A_260, %get3A_259 : vector<16xf32>
        scf.yield %add3A_201, %add3A_221, %add3A_241, %add3A_261 : vector<16xf32>, vector<16xf32>, vector<16xf32>, vector<16xf32>
      }
      %scan3A_157 = arith.constant 100 : i32
      %swap3A_158 = arith.index_cast %add3A_114 : i32 to index
      %swap3A_159 = arith.constant 0 : index
      %swap3A_160 = tpu.vector_load %arg7[%swap3A_158, %swap3A_159] {strides = array<i32>} : memref<128x64xf32, #tpu.memory_space<vmem>>, vector<1x16xf32>,
      %swap3A_161 = vector.shape_cast %swap3A_160 : vector<1x16xf32> to vector<16xf32>
      %swap3A_162 = vector.shape_cast %scan3A_156#0 : vector<16xf32> to vector<1x16xf32>
      tpu.vector_store %arg7[%swap3A_158, %swap3A_159], %swap3A_162 {strides = array<i32>} : memref<128x64xf32, #tpu.memory_space<vmem>>, vector<1x16xf32>,
      %swap3A_163 = arith.index_cast %add3A_114 : i32 to index
      %swap3A_164 = arith.constant 16 : index
      %swap3A_165 = tpu.vector_load %arg7[%swap3A_163, %swap3A_164] {strides = array<i32>} : memref<128x64xf32, #tpu.memory_space<vmem>>, vector<1x16xf32>,
      %swap3A_166 = vector.shape_cast %swap3A_165 : vector<1x16xf32> to vector<16xf32>
      %swap3A_167 = vector.shape_cast %scan3A_156#1 : vector<16xf32> to vector<1x16xf32>
      tpu.vector_store %arg7[%swap3A_163, %swap3A_164], %swap3A_167 {strides = array<i32>} : memref<128x64xf32, #tpu.memory_space<vmem>>, vector<1x16xf32>,
      %swap3A_168 = arith.index_cast %add3A_114 : i32 to index
      %swap3A_169 = arith.constant 32 : index
      %swap3A_170 = tpu.vector_load %arg7[%swap3A_168, %swap3A_169] {strides = array<i32>} : memref<128x64xf32, #tpu.memory_space<vmem>>, vector<1x16xf32>,
      %swap3A_171 = vector.shape_cast %swap3A_170 : vector<1x16xf32> to vector<16xf32>
      %swap3A_172 = vector.shape_cast %scan3A_156#2 : vector<16xf32> to vector<1x16xf32>
      tpu.vector_store %arg7[%swap3A_168, %swap3A_169], %swap3A_172 {strides = array<i32>} : memref<128x64xf32, #tpu.memory_space<vmem>>, vector<1x16xf32>,
      %swap3A_173 = arith.index_cast %add3A_114 : i32 to index
      %swap3A_174 = arith.constant 48 : index
      %swap3A_175 = tpu.vector_load %arg7[%swap3A_173, %swap3A_174] {strides = array<i32>} : memref<128x64xf32, #tpu.memory_space<vmem>>, vector<1x16xf32>,
      %swap3A_176 = vector.shape_cast %swap3A_175 : vector<1x16xf32> to vector<16xf32>
      %swap3A_177 = vector.shape_cast %scan3A_156#3 : vector<16xf32> to vector<1x16xf32>
      tpu.vector_store %arg7[%swap3A_173, %swap3A_174], %swap3A_177 {strides = array<i32>} : memref<128x64xf32, #tpu.memory_space<vmem>>, vector<1x16xf32>,
    }
    %scan3A_46 = arith.constant 64 : i32
    %mul3A_47 = arith.constant 128 : i32
    %mul3A_48 = arith.muli %add3A, %mul3A_47 : i32
    "tpu.region"() ({
      %run_scoped3A = tpu.sem_alloc : memref<!tpu.dma_semaphore, #tpu.memory_space<semaphore_mem>>
      %dma_start3A_49 = arith.constant 0 : i32
      %dma_start3A_50 = tpu.memref_slice %arg4[%mul3A_48, %dma_start3A_49] : memref<4096x64xf32, #tpu.memory_space<hbm>> -> memref<128x64xf32, #tpu.memory_space<hbm>>
      %dma_start3A_51 = arith.constant 0 : i32
      %dma_start3A_52 = tpu.memref_slice %arg4[%mul3A_48, %dma_start3A_51] : memref<4096x64xf32, #tpu.memory_space<hbm>> -> memref<128x64xf32, #tpu.memory_space<hbm>>
      tpu.enqueue_dma source(%arg7 : memref<128x64xf32, #tpu.memory_space<vmem>>) target(%dma_start3A_52 : memref<128x64xf32, #tpu.memory_space<hbm>>) target_semaphore(%run_scoped3A : memref<!tpu.dma_semaphore, #tpu.memory_space<semaphore_mem>>)
      %dma_wait3A = arith.constant 0 : i32
      %dma_wait3A_53 = tpu.memref_slice %arg4[%mul3A_48, %dma_wait3A] : memref<4096x64xf32, #tpu.memory_space<hbm>> -> memref<128x64xf32, #tpu.memory_space<hbm>>
      %dma_wait3A_54 = arith.constant 0 : i32
      %dma_wait3A_55 = tpu.memref_slice %arg4[%mul3A_48, %dma_wait3A_54] : memref<4096x64xf32, #tpu.memory_space<hbm>> -> memref<128x64xf32, #tpu.memory_space<hbm>>
      tpu.wait_dma2 semaphore(%run_scoped3A : memref<!tpu.dma_semaphore, #tpu.memory_space<semaphore_mem>>) src(%arg7 : memref<128x64xf32, #tpu.memory_space<vmem>>) dst(%dma_wait3A_55 : memref<128x64xf32, #tpu.memory_space<hbm>>)
      tpu.yield
    }) : () -> ()
    return
  }
}

module attributes {stable_mosaic.version = 14 : i64} {
  func.func @body(%arg0: i32, %arg1: memref<512x64xf32, #tpu.memory_space<vmem>>, %arg2: memref<64x512xf32, #tpu.memory_space<vmem>>, %arg3: memref<1x512xf32, #tpu.memory_space<vmem>>, %arg4: memref<512x128xf32, #tpu.memory_space<vmem>>, %arg5: memref<1x128xf32, #tpu.memory_space<vmem>>, %arg6: memref<512x128xf32, #tpu.memory_space<vmem>>) attributes {dimension_semantics = [#tpu.dimension_semantics<arbitrary>], iteration_bounds = array<i64: 8>, scalar_prefetch = 0 : i64, scratch_operands = 0 : i64, tpu.core_type = #tpu.core_type<tc>, window_params = [{transform_indices = @transform_0, window_bounds = array<i64: 512, 64>}, {pipeline_mode = #tpu.pipeline_mode<synchronous>, transform_indices = @transform_1, window_bounds = array<i64: 64, 512>}, {pipeline_mode = #tpu.pipeline_mode<synchronous>, transform_indices = @transform_2, window_bounds = array<i64: 1, 512>}, {pipeline_mode = #tpu.pipeline_mode<synchronous>, transform_indices = @transform_3, window_bounds = array<i64: 512, 128>}, {pipeline_mode = #tpu.pipeline_mode<synchronous>, transform_indices = @transform_4, window_bounds = array<i64: 1, 128>}, {transform_indices = @transform_5, window_bounds = array<i64: 512, 128>}]} {
    %get3A = arith.constant 0 : index
    %get3A_0 = arith.constant 0 : index
    %get3A_1 = vector.load %arg1[%get3A, %get3A_0] : memref<512x64xf32, #tpu.memory_space<vmem>>, vector<512x64xf32>
    %mul3A = arith.constant 5.000000e-03 : f32
    %mul3A_2 = vector.broadcast %mul3A : f32 to vector<512x64xf32>
    %mul3A_3 = arith.mulf %get3A_1, %mul3A_2 : vector<512x64xf32>
    %get3A_4 = arith.constant 0 : index
    %get3A_5 = arith.constant 0 : index
    %get3A_6 = vector.load %arg2[%get3A_4, %get3A_5] : memref<64x512xf32, #tpu.memory_space<vmem>>, vector<64x512xf32>
    %dot_general3A = arith.constant dense<0.000000e+00> : vector<512x512xf32>
    %dot_general3A_7 = tpu.matmul %mul3A_3, %get3A_6, %dot_general3A {dimension_numbers = #tpu.dot_dimension_numbers<[1], [0], [0], [1], [0, 0, 1, 1], [], []>, transpose_lhs_hint = false} : vector<512x64xf32>, vector<64x512xf32>, vector<512x512xf32> -> vector<512x512xf32>
    %get3A_8 = arith.constant 0 : index
    %get3A_9 = arith.constant 0 : index
    %get3A_10 = vector.load %arg3[%get3A_8, %get3A_9] : memref<1x512xf32, #tpu.memory_space<vmem>>, vector<1x512xf32>
    %add3A = vector.broadcast %get3A_10 : vector<1x512xf32> to vector<512x512xf32>
    %add3A_11 = arith.addf %dot_general3A_7, %add3A : vector<512x512xf32>
    %max3A = arith.constant 0.000000e+00 : f32
    %max3A_12 = vector.broadcast %max3A : f32 to vector<512x512xf32>
    %max3A_13 = arith.maximumf %add3A_11, %max3A_12 : vector<512x512xf32>
    %get3A_14 = arith.constant 0 : index
    %get3A_15 = arith.constant 0 : index
    %get3A_16 = vector.load %arg4[%get3A_14, %get3A_15] : memref<512x128xf32, #tpu.memory_space<vmem>>, vector<512x128xf32>
    %dot_general3A_17 = arith.constant dense<0.000000e+00> : vector<512x128xf32>
    %dot_general3A_18 = tpu.matmul %max3A_13, %get3A_16, %dot_general3A_17 {dimension_numbers = #tpu.dot_dimension_numbers<[1], [0], [0], [1], [0, 0, 1, 1], [], []>, transpose_lhs_hint = false} : vector<512x512xf32>, vector<512x128xf32>, vector<512x128xf32> -> vector<512x128xf32>
    %get3A_19 = arith.constant 0 : index
    %get3A_20 = arith.constant 0 : index
    %get3A_21 = vector.load %arg5[%get3A_19, %get3A_20] : memref<1x128xf32, #tpu.memory_space<vmem>>, vector<1x128xf32>
    %add3A_22 = vector.broadcast %get3A_21 : vector<1x128xf32> to vector<512x128xf32>
    %add3A_23 = arith.addf %dot_general3A_18, %add3A_22 : vector<512x128xf32>
    %swap3A = arith.constant 0 : index
    %swap3A_24 = arith.constant 0 : index
    %swap3A_25 = vector.load %arg6[%swap3A, %swap3A_24] : memref<512x128xf32, #tpu.memory_space<vmem>>, vector<512x128xf32>
    tpu.vector_store %arg6[%swap3A, %swap3A_24], %add3A_23 {strides = array<i32>} : memref<512x128xf32, #tpu.memory_space<vmem>>, vector<512x128xf32>,
    return
  }
  func.func @transform_0(%arg0: i32) -> (i32, i32) {
    %c0_i32 = arith.constant 0 : i32
    %c0_i32_0 = arith.constant 0 : i32
    return %arg0, %c0_i32 : i32, i32
  }
  func.func @transform_1(%arg0: i32) -> (i32, i32) {
    %c0_i32 = arith.constant 0 : i32
    %c0_i32_0 = arith.constant 0 : i32
    %c0_i32_1 = arith.constant 0 : i32
    return %c0_i32, %c0_i32_0 : i32, i32
  }
  func.func @transform_2(%arg0: i32) -> (i32, i32) {
    %c0_i32 = arith.constant 0 : i32
    %c0_i32_0 = arith.constant 0 : i32
    %c0_i32_1 = arith.constant 0 : i32
    return %c0_i32, %c0_i32_0 : i32, i32
  }
  func.func @transform_3(%arg0: i32) -> (i32, i32) {
    %c0_i32 = arith.constant 0 : i32
    %c0_i32_0 = arith.constant 0 : i32
    %c0_i32_1 = arith.constant 0 : i32
    return %c0_i32, %c0_i32_0 : i32, i32
  }
  func.func @transform_4(%arg0: i32) -> (i32, i32) {
    %c0_i32 = arith.constant 0 : i32
    %c0_i32_0 = arith.constant 0 : i32
    %c0_i32_1 = arith.constant 0 : i32
    return %c0_i32, %c0_i32_0 : i32, i32
  }
  func.func @transform_5(%arg0: i32) -> (i32, i32) {
    %c0_i32 = arith.constant 0 : i32
    %c0_i32_0 = arith.constant 0 : i32
    return %arg0, %c0_i32 : i32, i32
  }
}

</mosaic_0001>

<sc_bundles>
// kernel: kernel.4.cloned.1.call-start
scs
__scs_entry_jumppad:
0x0: {  	(pc) =	sbr.rel $0x88, $3  }
0x1: {  	(tag) =	ssettag $0x0;
	lr =	simm.s32 $0x1  }
0x2: {  	[smem:$0x3F9B] =	sst lr;
	_ =	strace $0xD0000000  }
0x3: {  	_ = 	snop  }
0x4: {  	_ = 	snop  }
0x5: {  	_ = 	snop  }
0x6: {  	_ = 	snop  }
0x7: {  	_ = 	snop  }
__scs_overlays_trampoline_lowered:
0x8: {  	[smem:$0x3FAA] =	sst s0  }
0x9: {  	[smem:$0x3FAB] =	sst s1  }
0xa: {  	[smem:$0x3FAC] =	sst s2  }
0xb: {  	[smem:$0x3FAD] =	sst s3  }
0xc: {  	[smem:$0x3FAE] =	sst s4  }
0xd: {  	[smem:$0x3FAF] =	sst s5  }
0xe: {  	[smem:$0x3FB0] =	sst s6  }
0xf: {  	[smem:$0x3FB1] =	sst s7  }
0x10: {  	[smem:$0x3FB2] =	sst s8  }
0x11: {  	[smem:$0x3FB3] =	sst s9;
	s0 =	simm.s32 @!p0 $0x0  }
0x12: {  	s1 =	sld [smem:$0x3F99];
	s0 =	simm.s32 @p0 $0x1  }
0x13: {  	[smem:$0x3FB4] =	sst s0;
	s0 =	simm.s32 @!p1 $0x0  }
0x14: {  	s2 =	sld [smem:$0x3F98];
	s0 =	simm.s32 @p1 $0x1  }
0x15: {  	[smem:$0x3FB5] =	sst s0;
	s0 =	simm.s32 @!p2 $0x0  }
0x16: {  	s3 =	sld [smem:$0x3FDB];
	s0 =	simm.s32 @p2 $0x1  }
0x17: {  	s4 =	simm.s32 $0x1BF5;
	[smem:$0x3FB7] =	sst s0  }
0x18: {  	s0 =	sld [smem:$0x3F9A];
	_ =	swait.ge [sflag:s4], $0x0  }
0x19: {  	s7 =	sld [smem:$0x3F9B]  }
0x1a: {  	s8 =	sadd.s32 $0xFFFFE003, lr  }
0x1b: {  	s9 =	sadd.s32 $0xFFFFFEF7, lr;
	s5 =	simm.s32 $0xFFFFFFFF;
	p2 =	slt.u32 s8, $0xFFFFF086  }
0x1c: {  	p1 =	slt.u32 s9, $0xF7A;
	s5 =	simm.s32 @!p2 $0x0  }
0x1d: {  	s5 =	simm.s32 @p1 $0x1;
	p0 =	seq.s32 s7, s2  }
0x1e: {  	s7 =	smul.u32 @!p0 $0xF7A, s2;
	p2 =	seq.s32 @!p0 s5, $0x0  }
0x1f: {  	s9 =	smul.u32 $0xF7A, s1;
	s8 =	simm.s32 @!p0 $0x1BF5;
	p2 =	por !p2, p0  }
0x20: {  	[sflag:s8] =	ssyncset.s32 @!p0 $0xFFFFF086;
	s6 =	sadd.s32 @!p0 s3, s7;
	s7 =	simm.s32 @!p0 $0x108  }
0x21: {  	s3 =	sadd.s32 s3, s9;
	s6 =	sadd.s32 @!p0 $0x88, s6;
	s7 =	simm.s32 @p2 $0x1082  }
0x22: {  	[simem:s7], [sflag:s8] =	dma.local @!p0 [hbm:s6], $0xF7A  }
0x23: {  	s9 =	sor.u32 $0xD0000000, s2;
	s6 =	simm.s32 $0x108;
	_ =	swait.ge @!p0 [sflag:s8], $0x0  }
0x24: {  	s3 =	sadd.s32 $0x88, s3;
	s6 =	simm.s32 @!p1 $0x1082;
	[sflag:s4] =	ssyncset.s32 $0xFFFFF086  }
0x25: {  	[simem:s6], [sflag:s4] =	dma.local [hbm:s3], $0xF7A  }
0x26: {  	[smem:$0x3F9B] =	sst s1;
	(tag) =	ssettag s2;
	_ =	strace s9  }
0x27: {  	s1 =	sld [smem:$0x3FAB]  }
0x28: {  	s2 =	sld [smem:$0x3FAC]  }
0x29: {  	s4 =	sld [smem:$0x3FAE]  }
0x2a: {  	p0 =	seq.s32 s5, $0x0;
	s5 =	sld [smem:$0x3FAF]  }
0x2b: {  	s6 =	sld [smem:$0x3FB0]  }
0x2c: {  	s7 =	sld [smem:$0x3FB1]  }
0x2d: {  	s3 =	simm.s32 $0x108;
	s8 =	sld [smem:$0x3FB2]  }
0x2e: {  	s3 =	simm.s32 @!p0 $0x1082;
	s9 =	sld [smem:$0x3FB3]  }
0x2f: {  	lr =	sadd.s32 s0, s3;
	s0 =	sld [smem:$0x3FAA]  }
0x30: {  	s3 =	sld [smem:$0x3FAD]  }
0x31: {  	[smem:$0x3FB6] =	sst s10  }
0x32: {  	s10 =	sld [smem:$0x3FB4];
	_ =	sdelay $0x3  }
0x33: {  	p0 =	seq.s32 s10, $0x1;
	s10 =	sld [smem:$0x3FB6];
	_ =	sdelay $0x3  }
0x34: {  	[smem:$0x3FB6] =	sst s10  }
0x35: {  	s10 =	sld [smem:$0x3FB5];
	_ =	sdelay $0x3  }
0x36: {  	p1 =	seq.s32 s10, $0x1;
	s10 =	sld [smem:$0x3FB6];
	_ =	sdelay $0x3  }
0x37: {  	[smem:$0x3FB6] =	sst s10  }
0x38: {  	s10 =	sld [smem:$0x3FB7]  }
0x39: {  	_ = 	snop;
	(pc) =	sbr.ind lr, $3  }
0x3a: {  	_ = 	snop  }
0x3b: {  	_ = 	snop  }
0x3c: {  	p2 =	seq.s32 s10, $0x1;
	s10 =	sld [smem:$0x3FB6]  }
0x3d: {  	_ =	shalt  }
0x3e: {  	_ =	shalt  }
0x3f: {  	_ =	shalt  }
0x40: {  	_ =	shalt  }
0x41: {  	_ =	shalt  }
0x42: {  	_ =	shalt  }
0x43: {  	_ =	shalt  }
0x44: {  	_ =	shalt  }
0x45: {  	_ =	shalt  }
0x46: {  	_ =	shalt  }
0x47: {  	_ =	shalt  }
0x48: {  	_ =	shalt  }
0x49: {  	_ =	shalt  }
0x4a: {  	_ =	shalt  }
0x4b: {  	_ =	shalt  }
0x4c: {  	_ =	shalt  }
0x4d: {  	_ =	shalt  }
0x4e: {  	_ =	shalt  }
0x4f: {  	_ =	shalt  }
0x50: {  	_ =	shalt  }
0x51: {  	_ =	shalt  }
0x52: {  	_ =	shalt  }
0x53: {  	_ =	shalt  }
0x54: {  	_ =	shalt  }
0x55: {  	_ =	shalt  }
0x56: {  	_ =	shalt  }
0x57: {  	_ =	shalt  }
0x58: {  	_ =	shalt  }
0x59: {  	_ =	shalt  }
0x5a: {  	_ =	shalt  }
0x5b: {  	_ =	shalt  }
0x5c: {  	_ =	shalt  }
0x5d: {  	_ =	shalt  }
0x5e: {  	_ =	shalt  }
0x5f: {  	_ =	shalt  }
0x60: {  	_ =	shalt  }
0x61: {  	_ =	shalt  }
0x62: {  	_ =	shalt  }
0x63: {  	_ =	shalt  }
0x64: {  	_ =	shalt  }
0x65: {  	_ =	shalt  }
0x66: {  	_ =	shalt  }
0x67: {  	_ =	shalt  }
0x68: {  	_ =	shalt  }
0x69: {  	_ =	shalt  }
0x6a: {  	_ =	shalt  }
0x6b: {  	_ =	shalt  }
0x6c: {  	_ =	shalt  }
0x6d: {  	_ =	shalt  }
0x6e: {  	_ =	shalt  }
0x6f: {  	_ =	shalt  }
0x70: {  	_ =	shalt  }
0x71: {  	_ =	shalt  }
0x72: {  	_ =	shalt  }
0x73: {  	_ =	shalt  }
0x74: {  	_ =	shalt  }
0x75: {  	_ =	shalt  }
0x76: {  	_ =	shalt  }
0x77: {  	_ =	shalt  }
0x78: {  	_ =	shalt  }
0x79: {  	_ =	shalt  }
0x7a: {  	_ =	shalt  }
0x7b: {  	_ =	shalt  }
0x7c: {  	_ =	shalt  }
0x7d: {  	_ =	shalt  }
0x7e: {  	_ =	shalt  }
0x7f: {  	_ =	shalt  }
0x80: {  	_ =	shalt  }
0x81: {  	_ =	shalt  }
0x82: {  	_ =	shalt  }
0x83: {  	_ =	shalt  }
0x84: {  	_ =	shalt  }
0x85: {  	_ =	shalt  }
0x86: {  	_ =	shalt  }
0x87: {  	_ =	shalt  }
.Lfunc_end0:
.L_simem_size_0:
called_computation_lowered:
.L_overlay_start_0:
0x88: {  	s2 =	sld [smem:$0x3FD9]  }
0x89: {  	s3 =	sld [smem:$0x3FFE];
	_ =	sdelay $0x1  }
0x8a: {  	s1 =	srdreg.scid  }
0x8b: {  	s0 =	sand.u32 $0x1, s1  }
0x8c: {  	s17 =	sshll.u32 s0, $0xA;
	s2 =	sadd.s32 s3, s2  }
0x8d: {  	s2 =	sadd.s32 s2, s17  }
0x8e: {  	[smem:$0x3FC2] =	sst s2  }
0x8f: {  	_ = 	snop  }
0x90: {  	s2 =	sld [smem:$0x3FD0];
	(tm) =	ssettm $0x1  }
0x91: {  	s18 =	sld [smem:$0x3FFB];
	_ =	sdelay $0x3  }
0x92: {  	_ =	strace s18  }
0x93: {  	s3 =	sld [smem:$0x3FFC];
	_ =	sdelay $0x3  }
0x94: {  	_ =	strace s3  }
0x95: {  	s3 =	sld [smem:$0x3FFD];
	_ =	sdelay $0x3  }
0x96: {  	_ =	strace s3  }
0x97: {  	_ =	strace $0x8FFFFFFF  }
0x98: {  	s19 =	sld [smem:$0x3FDB];
	_ =	sdelay $0x1  }
0x99: {  	s4 =	simm.s32 $_scs_section_size  }
0x9a: {  	s5 =	simm.s32 $_size__tile_overlayer_lowered;
	s6 =	simm.s32 $_tile_overlayer_lowered  }
0x9b: {  	s22 =	simm.s32 $0x1BFF;
	s21 =	sshll.u32 s6, $0x1;
	s3 =	sadd.s32 s4, s19  }
0x9c: {  	s7 =	simm.s32 $0x0;
	s20 =	sshll.u32 s5, $0x1;
	s5 =	sadd.s32 s21, s3  }
0x9d: {  	[timem:s7], [sflag:s22] =	dma.local [hbm:s5], s20  }
0x9e: {  	_ =	swait.ge [sflag:s22], s20  }
0x9f: {  	s4 =	ssub.s32 $0x0, s20;
	[sflag:s22] =	ssyncset.done $0x0  }
0xa0: {  	[sflag:s22] =	ssyncadd.s32 s4;
	_ =	sdelay $0x1  }
0xa1: {  	s23 =	simm.s32 $0x1B8B  }
0xa2: {  	_ =	swait.ge [sflag:s23], $0x1  }
0xa3: {  	[sflag:s23] =	ssyncset.done $0x0  }
0xa4: {  	s25 =	simm.s32 $0x1B8E;
	s24 =	sld [smem:$0x3FFE];
	[sflag:s23] =	ssyncadd.s32 $0xFFFFFFFF  }
0xa5: {  	s26 =	simm.s32 $execute0_lowered;
	[smem:$0x3FD2] =	sst s25  }
0xa6: {  	s5 =	sshll.u32 s26, $0x1;
	_ =	strace $0x80000046;
	[dreg:$0x1] =	wrdreg $0xFFFFFFFF  }
0xa7: {  	s28 =	simm.s32 $_size_execute0_lowered;
	s3 =	sadd.s32 s3, s5;
	[dreg:$0x0] =	wrdreg $0x0  }
0xa8: {  	s5 =	sshll.u32 s28, $0x1;
	[dreg:$0x2] =	wrdreg s3  }
0xa9: {  	[dreg:$0x3] =	wrdreg s5  }
0xaa: {  	[dreg:$0x4] =	wrdreg $0xC0  }
0xab: {  	_ =	task [dreg:s7], $0x5FFFF  }
0xac: {  	[dreg:$0x1] =	wrdreg $0xFFFFFFFF  }
0xad: {  	[dreg:$0x0] =	wrdreg $0x60  }
0xae: {  	[dreg:$0x2] =	wrdreg s24  }
0xaf: {  	[dreg:$0x3] =	wrdreg s2  }
0xb0: {  	[dreg:$0x4] =	wrdreg $0x9  }
0xb1: {  	_ =	task.clear_ibuf [dreg:s7], $0x5FFFF;
	_ =	strace $0x90000046  }
0xb2: {  	s29 =	simm.s32 $0x9;
	_ =	strace $0x80000048  }
0xb3: {  	_ =	swait.ge [sflag:s29], $0x1  }
0xb4: {  	[sflag:s29] =	ssyncadd.s32 $0xFFFFFFFF  }
0xb5: {  	_ =	strace $0x90000048  }
0xb6: {  	_ =	sfence  }
0xb7: {  	s30 =	sld [smem:$0x0];
	_ =	sdelay $0x2  }
0xb8: {  	s31 =	sshll.u32 s1, $0xD;
	s1 =	sshrl.u32 s1, $0x2  }
0xb9: {  	s3 =	sand.u32 $0x4000, s31;
	s1 =	sadd.s32 s1, s30  }
0xba: {  	s0 =	sor.u32 s3, s0;
	s1 =	sshll.u32 s1, $0x11  }
0xbb: {  	s0 =	sor.u32 s1, s0  }
0xbc: {  	s0 =	sadd.s32 $0x8F2B, s0  }
0xbd: {  	[sflag:s0] =	ssyncadd.remote.s32 $0x1  }
0xbe: {  	_ =	sfence.sel $0xFFFF  }
0xbf: {  	[dreg:$0x0] =	wrdreg $0xFFFFFFFF;
	(pc) =	sbr.abs _section_cstart, $3  }
0xc0: {  	[dreg:$0x1] =	wrdreg $0xFFFFFFFF  }
0xc1: {  	_ =	task.clear_ibuf [dreg:s7], $0x2FFFF;
	_ =	strace $0x9FFFFFFF  }
0xc2: {  	(tm) =	ssettm $0x7FFFFFFF  }
0xc3: {  	_ =	shalt  }
tec
execute0_lowered:
.L_overlay_start_1:
0x0: {  	(tag) =	ssettag $0x1  }
0x1: {  	s3 =	rddreg [dreg:$0x0];
	s1 =	srdreg.scid  }
0x2: {  	s0 =	stileid.u32;
	s5 =	rddreg [dreg:$0x1]  }
0x3: {  	s2 =	simm.s32 $0x0;
	s9 =	simm.s32 $0x6400;
	s10 =	simm.s32 $0x48  }
0x4: {  	s11 =	simm.s32 $0x8400;
	s12 =	simm.s32 $0xC8;
	s13 =	simm.s32 $0x9600  }
0x5: {  	s14 =	simm.s32 $0x148;
	s15 =	simm.s32 $0xB600;
	s16 =	simm.s32 $0x1  }
0x6: {  	s17 =	simm.s32 $0x2;
	s18 =	simm.s32 $0xC800;
	s19 =	simm.s32 $0x0  }
0x7: {  	s4 =	sand.u32 $0x1, s1;
	s6 =	sshll.u32 s0, $0x1;
	s1 =	rddreg [dreg:$0x2]  }
0x8: {  	[smem:$0x7FF] =	sst s2;
	s6 =	sor.u32 s4, s6;
	s4 =	ssub.s32 $0x2, s4  }
0x9: {  	s7 =	smul.u32 $0xC80, s6;
	s8 =	sshrl.u32 s4, $0x1;
	s6 =	sshll.u32 s6, $0xA  }
0xa: {  	_ =	strace $0x80000047;
	s8 =	ssub.s32 s4, s8;
	s5 =	sadd.s32 s5, s6  }
0xb: {  	s7 =	sadd.s32 s7, s3;
	s3 =	sadd.s32 $0xF43200, s3;
	s6 =	smax.u32 s8, $0x1  }
0xc: {  	s8 =	simm.s32 $0x80;
	s4 =	sadd.s32 $0xE00, s7;
	s7 =	simm.s32 $0x3  }
.LBB2_1:
0xd: {  	[tilespmem:s2], [sflag:$0x3] =	stream.linear.gather [hbm4b:s4+s2], $0x6400, $0x38;
	[tilespmem:$0xE800] =	vst v63  }
0xe: {  	_ =	swait.ge [sflag:s7], $0x6400  }
0xf: {  	[sflag:s7] =	ssyncset.done $0x0  }
0x10: {  	[sflag:s7] =	ssyncadd.s32 $0xFFFF9C00  }
0x11: {  	[tilespmem:s9], [sflag:$0x1] =	stream.indirect.gather [hbm4b:s3+s8], $0x40, s2, s8, $0xb8;
	[tilespmem:$0xE800] =	vst v63  }
0x12: {  	_ = 	snop  }
0x13: {  	[tilespmem:s11], [sflag:$0x1] =	stream.indirect.gather [hbm4b:s3+s10], $0x40, s8, s10, $0xb8;
	[tilespmem:$0xE800] =	vst v63  }
0x14: {  	_ = 	snop  }
0x15: {  	[tilespmem:s13], [sflag:$0x2] =	stream.indirect.gather [hbm4b:s3+s8], $0x40, s12, s8, $0xb8;
	[tilespmem:$0xE800] =	vst v63  }
0x16: {  	s20 =	simm.s32 $0x0  }
0x17: {  	[tilespmem:s15], [sflag:$0x2] =	stream.indirect.gather [hbm4b:s3+s10], $0x40, s14, s10, $0xb8;
	[tilespmem:$0xE800] =	vst v63  }
.LBB2_2:
0x18: {  	_ =	swait.ge [sflag:s16], $0x2000  }
0x19: {  	p0 =	seq.s32 s20, $0x3F;
	[sflag:s16] =	ssyncset.done $0x0  }
0x1a: {  	s21 =	smul.u32 @!p0 $0x640, s20;
	[sflag:s16] =	ssyncadd.s32 $0xFFFFE000  }
0x1b: {  	_ =	swait.ge [sflag:s16], $0x1200  }
0x1c: {  	s23 =	simm.s32 @!p0 $0x80;
	s22 =	sshra.s32 @!p0 s21, $0x2;
	[sflag:s16] =	ssyncset.done $0x0  }
0x1d: {  	s24 =	simm.s32 @!p0 $0x6400;
	s21 =	sadd.s32 @!p0 $0x190, s22;
	[sflag:s16] =	ssyncadd.s32 $0xFFFFEE00  }
0x1e: {  	[tilespmem:s24], [sflag:$0x1] =	stream.indirect.gather @!p0 [hbm4b:s3+s23], $0x40, s21, s23, $0xb8;
	[tilespmem:$0xE800] =	vst v63  }
0x1f: {  	s21 =	sadd.s32 @!p0 $0x210, s22;
	s23 =	simm.s32 @!p0 $0x48;
	s24 =	simm.s32 @!p0 $0x8400  }
0x20: {  	[tilespmem:s24], [sflag:$0x1] =	stream.indirect.gather @!p0 [hbm4b:s3+s23], $0x40, s21, s23, $0xb8;
	[tilespmem:$0xE800] =	vst v63  }
0x21: {  	s21 =	simm.s32 $0x0  }
0x22: {  	v1 =	vld [tilespmem:s21+$0x6440]  }
0x23: {  	v0 =	vld [tilespmem:s21+$0x6450]  }
0x24: {  	v2 =	vld [tilespmem:s21+$0x6400]  }
0x25: {  	v5 =	vimm.f32 $0.0e+00;
	v3 =	vld [tilespmem:s21+$0x6410]  }
0x26: {  	v7 =	vimm.f32 $0.0e+00;
	v8 =	vimm.f32 $0.0e+00;
	v6 =	vimm.f32 $0.0e+00;
	s23 =	simm.s32 $0x200;
	v4 =	vld [tilespmem:s21+$0x6420]  }
.LBB2_3:
0x27: {  	p1 =	sne.s32 s23, $0xC600;
	v9 =	vld [tilespmem:s21+$0x6430];
	v10 =	vmov v1  }
0x28: {  	v11 =	vld [tilespmem:s21+$0x6460];
	v12 =	vmov v0  }
0x29: {  	v13 =	vld [tilespmem:s21+$0x6470];
	s21 =	sshra.s32 s23, $0x2  }
.Ltmp0:
0x2a: {  	v1 =	vld [tilespmem:s21+$0x6440];
	(pc) =	sbr.rel @p1 .LBB2_3-.Ltmp0, $4  }
0x2b: {  	v5 =	vadd.f32 v2, v5;
	v7 =	vadd.f32 v3, v7;
	v0 =	vld [tilespmem:s21+$0x6450]  }
0x2c: {  	v8 =	vadd.f32 v4, v8;
	v2 =	vld [tilespmem:s21+$0x6400];
	v6 =	vadd.f32 v9, v6  }
0x2d: {  	v5 =	vadd.f32 v10, v5;
	v7 =	vadd.f32 v12, v7;
	v3 =	vld [tilespmem:s21+$0x6410]  }
0x2e: {  	s23 =	sadd.s32 $0x200, s23;
	v8 =	vadd.f32 v11, v8;
	v4 =	vld [tilespmem:s21+$0x6420];
	v6 =	vadd.f32 v13, v6  }
0x2f: {  	v9 =	vld [tilespmem:s21+$0x6430]  }
0x30: {  	v10 =	vld [tilespmem:s21+$0x6460]  }
0x31: {  	v11 =	vld [tilespmem:s21+$0x6470];
	v2 =	vadd.f32 v2, v5  }
0x32: {  	v3 =	vadd.f32 v3, v7  }
0x33: {  	s31 =	sshll.u32 s20, $0x7;
	v4 =	vadd.f32 v4, v8;
	v1 =	vadd.f32 v1, v2  }
0x34: {  	s21 =	sand.u32 $0x3FFFFF80, s31;
	v2 =	vadd.f32 v9, v6;
	v0 =	vadd.f32 v0, v3  }
0x35: {  	v3 =	vadd.f32 v10, v4;
	[tilespmem:s21+$0xC800] =	vst v1  }
0x36: {  	v1 =	vadd.f32 v11, v2;
	[tilespmem:s21+$0xC810] =	vst v0  }
0x37: {  	[tilespmem:s21+$0xC820] =	vst v3  }
0x38: {  	[tilespmem:s21+$0xC830] =	vst v1  }
0x39: {  	_ =	swait.ge [sflag:s17], $0x2000  }
0x3a: {  	[sflag:s17] =	ssyncset.done $0x0  }
0x3b: {  	[sflag:s17] =	ssyncadd.s32 $0xFFFFE000  }
0x3c: {  	_ =	swait.ge [sflag:s17], $0x1200  }
0x3d: {  	s23 =	sadd.s32 @!p0 $0x258, s22;
	[sflag:s17] =	ssyncset.done $0x0  }
0x3e: {  	s24 =	simm.s32 @!p0 $0x80;
	s25 =	simm.s32 @!p0 $0x9600;
	[sflag:s17] =	ssyncadd.s32 $0xFFFFEE00  }
0x3f: {  	[tilespmem:s25], [sflag:$0x2] =	stream.indirect.gather @!p0 [hbm4b:s3+s24], $0x40, s23, s24, $0xb8;
	[tilespmem:$0xE800] =	vst v63  }
0x40: {  	s22 =	sadd.s32 @!p0 $0x2D8, s22;
	s23 =	simm.s32 @!p0 $0x48;
	s24 =	simm.s32 @!p0 $0xB600  }
0x41: {  	[tilespmem:s24], [sflag:$0x2] =	stream.indirect.gather @!p0 [hbm4b:s3+s23], $0x40, s22, s23, $0xb8;
	[tilespmem:$0xE800] =	vst v63  }
0x42: {  	s22 =	simm.s32 $0x0  }
0x43: {  	v1 =	vld [tilespmem:s22+$0x9640]  }
0x44: {  	v0 =	vld [tilespmem:s22+$0x9650]  }
0x45: {  	v2 =	vld [tilespmem:s22+$0x9600]  }
0x46: {  	v5 =	vimm.f32 $0.0e+00;
	v3 =	vld [tilespmem:s22+$0x9610]  }
0x47: {  	v7 =	vimm.f32 $0.0e+00;
	v8 =	vimm.f32 $0.0e+00;
	v6 =	vimm.f32 $0.0e+00;
	s23 =	simm.s32 $0x200;
	v4 =	vld [tilespmem:s22+$0x9620]  }
.LBB2_5:
0x48: {  	p0 =	sne.s32 s23, $0xC600;
	v9 =	vld [tilespmem:s22+$0x9630];
	v10 =	vmov v1  }
0x49: {  	v11 =	vld [tilespmem:s22+$0x9660];
	v12 =	vmov v0  }
0x4a: {  	v13 =	vld [tilespmem:s22+$0x9670];
	s22 =	sshra.s32 s23, $0x2  }
.Ltmp1:
0x4b: {  	v1 =	vld [tilespmem:s22+$0x9640];
	(pc) =	sbr.rel @p0 .LBB2_5-.Ltmp1, $4  }
0x4c: {  	v5 =	vadd.f32 v2, v5;
	v6 =	vadd.f32 v3, v6;
	v0 =	vld [tilespmem:s22+$0x9650]  }
0x4d: {  	v8 =	vadd.f32 v4, v8;
	v2 =	vld [tilespmem:s22+$0x9600];
	v7 =	vadd.f32 v9, v7  }
0x4e: {  	v5 =	vadd.f32 v10, v5;
	v6 =	vadd.f32 v12, v6;
	v3 =	vld [tilespmem:s22+$0x9610]  }
0x4f: {  	s23 =	sadd.s32 $0x200, s23;
	v8 =	vadd.f32 v11, v8;
	v4 =	vld [tilespmem:s22+$0x9620];
	v7 =	vadd.f32 v13, v7  }
0x50: {  	v9 =	vld [tilespmem:s22+$0x9630]  }
0x51: {  	v10 =	vld [tilespmem:s22+$0x9660]  }
0x52: {  	v11 =	vld [tilespmem:s22+$0x9670];
	v2 =	vadd.f32 v2, v5  }
0x53: {  	s20 =	sadd.s32 $0x1, s20;
	v3 =	vadd.f32 v3, v6  }
0x54: {  	p0 =	sne.s32 s20, $0x40;
	v4 =	vadd.f32 v4, v8;
	v1 =	vadd.f32 v1, v2  }
.Ltmp2:
0x55: {  	v61 =	vadd.f32 v9, v7;
	v0 =	vadd.f32 v0, v3;
	(pc) =	sbr.rel @p0 .LBB2_2-.Ltmp2, $4  }
0x56: {  	v62 =	vadd.f32 v10, v4;
	[tilespmem:s21+$0xC840] =	vst v1  }
0x57: {  	v63 =	vadd.f32 v11, v61;
	[tilespmem:s21+$0xC850] =	vst v0  }
0x58: {  	[tilespmem:s21+$0xC860] =	vst v62  }
0x59: {  	[tilespmem:s21+$0xC870] =	vst v63  }
0x5a: {  	s19 =	sadd.s32 $0x1, s19  }
0x5b: {  	p0 =	sne.s32 s19, s6  }
.Ltmp3:
0x5c: {  	_ = 	snop;
	(pc) =	sbr.rel @p0 .LBB2_1-.Ltmp3, $4  }
0x5d: {  	[hbm4b:s5+s2] =	stream.linear.scatter [tilespmem:s18], [sflag:$0x3], $0x2000, $0x38;
	[tilespmem:$0xE800] =	vst v63  }
0x5e: {  	_ =	swait.ge [sflag:s7], $0x2000  }
0x5f: {  	[sflag:s7] =	ssyncset.done $0x0  }
0x60: {  	[sflag:s7] =	ssyncadd.s32 $0xFFFFE000  }
0x61: {  	_ =	sfence.sel $0x180000  }
0x62: {  	[bflag:$0x0] =	sbarrier.arrive $0xFFFF  }
0x63: {  	p0 =	sne.s32 s0, $0x0;
	_ =	strace $0x90000047  }
0x64: {  	s0 =	sadd.s32 @!p0 $0x100000, s1;
	[bflag:$0x2] =	sbarrier.arrive $0xFFFF  }
0x65: {  	[sflag:s0] =	ssyncadd.tile.s32 @!p0 $0x1;
	_ =	shalt  }
.Lfunc_end2:
_tile_overlayer_lowered:
.L_overlay_start_2:
0x66: {  	(tag) =	ssettag $0x2  }
0x67: {  	s0 =	rddreg [dreg:$0x0];
	s2 =	stileid.u32  }
0x68: {  	s1 =	rddreg [dreg:$0x1];
	p0 =	sne.s32 s2, $0x0  }
0x69: {  	s3 =	rddreg [dreg:$0x2];
	[bflag:$0x3] =	sbarrier.arrive $0xFFFF;
	s2 =	simm.s32 @!p0 $0x1C03  }
0x6a: {  	[timem:s3], [sflag:s2] =	dma.local @!p0 [hbm:s0], s1  }
0x6b: {  	s0 =	simm.s32 @!p0 $0x3  }
0x6c: {  	_ =	swait.ge @!p0 [sflag:s0], s1  }
0x6d: {  	s1 =	ssub.s32 @!p0 $0x0, s1;
	[sflag:s0] =	ssyncset.done @!p0 $0x0  }
0x6e: {  	[sflag:s0] =	ssyncadd.s32 @!p0 s1  }
0x6f: {  	[bflag:$0x3] =	sbarrier.arrive $0xFFFF  }
0x70: {  	_ =	shalt  }

</sc_bundles>
